<compile_context>
chip_gen: v7x
topology: tpu7x:2x2x1
jax: 0.10.2.dev20260603
libtpu: 0.0.44.dev20260713+nightly
codegen_flags: <defaults>
</compile_context>

<pallas_src>
import functools

import jax
import jax.numpy as jnp
from jax.experimental import pallas as pl
from jax.experimental.pallas import tpu as pltpu
from jax.experimental.pallas import tpu_sc as plsc

BETA = 0.2
B, C, H, W = 8, 64, 64, 64
K, D = 1024, 64
N = B * H * W
BT = 512
NB = (H * W) // BT
GW = 256


def _vq_block(feat_ref, cbh_ref, y2_ref, idx_ref, loss_ref, acc_ref):
    b = pl.program_id(0)
    t = pl.program_id(1)
    x = feat_ref[...]
    cb_hi = cbh_ref[...]
    y2 = y2_ref[...]
    xs = (-2.0 * x).astype(jnp.bfloat16)
    scores = y2 + jax.lax.dot_general(
        cb_hi, xs, (((1,), (0,)), ((), ())),
        preferred_element_type=jnp.float32)
    smin = jnp.min(scores, axis=0)
    iota_k = jax.lax.broadcasted_iota(jnp.int32, (K, BT), 0)
    idx = jnp.min(jnp.where(scores == smin[None, :], iota_k, K), axis=0)
    idx_ref[0, 0, :] = idx

    part = jnp.sum(smin) + jnp.sum(x * x)

    @pl.when((b == 0) & (t == 0))
    def _init():
        acc_ref[0] = 0.0

    acc_ref[0] += part

    @pl.when((b == B - 1) & (t == NB - 1))
    def _fin():
        loss_ref[...] = jnp.full((1, 1), acc_ref[0] * ((1.0 + BETA) / (N * D)),
                                 dtype=jnp.float32)


def _tc_stage(feat2d, cb_hi, y2):
    return pl.pallas_call(
        _vq_block,
        grid=(B, NB),
        in_specs=[
            pl.BlockSpec((C, BT), lambda b, t: (b, t)),
            pl.BlockSpec((K, D), lambda b, t: (0, 0)),
            pl.BlockSpec((K, 1), lambda b, t: (0, 0)),
        ],
        out_specs=[
            pl.BlockSpec((1, 1, BT), lambda b, t: (b * NB + t, 0, 0)),
            pl.BlockSpec((1, 1), lambda b, t: (0, 0)),
        ],
        out_shape=[
            jax.ShapeDtypeStruct((B * NB, 1, BT), jnp.int32),
            jax.ShapeDtypeStruct((1, 1), jnp.float32),
        ],
        scratch_shapes=[pltpu.SMEM((1,), jnp.float32)],
    )(feat2d, cb_hi, y2)


_NW = 32
_BPW = N // _NW


_CH = 256
_NCH = _BPW // _CH


def _sc_gather(cb128, idx_flat):
    mesh = plsc.VectorSubcoreMesh(core_axis_name="c", subcore_axis_name="s")

    @functools.partial(
        pl.kernel, mesh=mesh,
        out_type=jax.ShapeDtypeStruct((N, 128), jnp.float32),
        scratch_types=[
            pltpu.VMEM((_BPW,), jnp.int32),
            pltpu.VMEM((_CH, 128), jnp.float32),
            pltpu.VMEM((_CH, 128), jnp.float32),
            pltpu.SemaphoreType.DMA,
            pltpu.SemaphoreType.DMA,
            pltpu.SemaphoreType.DMA,
            pltpu.SemaphoreType.DMA,
        ],
    )
    def gather_kernel(cb_hbm, idx_hbm, out_hbm, idx_v,
                      buf0, buf1, g0, g1, w0, w1):
        wid = jax.lax.axis_index("s") * 2 + jax.lax.axis_index("c")
        base = wid * _BPW
        pltpu.sync_copy(idx_hbm.at[pl.ds(base, _BPW)], idx_v)
        bufs = (buf0, buf1)
        gsems = (g0, g1)
        wsems = (w0, w1)
        gathers = [None, None]
        writes = [None, None]
        gathers[0] = pltpu.async_copy(
            cb_hbm.at[idx_v.at[pl.ds(0, _CH)]], bufs[0], gsems[0])
        for c in range(_NCH):
            p = c % 2
            q = (c + 1) % 2
            gathers[p].wait()
            if c + 1 < _NCH:
                if writes[q] is not None:
                    writes[q].wait()
                gathers[q] = pltpu.async_copy(
                    cb_hbm.at[idx_v.at[pl.ds((c + 1) * _CH, _CH)]],
                    bufs[q], gsems[q])
            writes[p] = pltpu.async_copy(
                bufs[p], out_hbm.at[pl.ds(base + c * _CH, _CH)], wsems[p])
        for w in writes:
            if w is not None:
                w.wait()

    return gather_kernel(cb128, idx_flat)


@jax.jit
def kernel(features, codebook):
    feat2d = features.reshape(B * C, H * W)
    y2 = jnp.sum(codebook * codebook, axis=1, keepdims=True)
    cb_hi = codebook.astype(jnp.bfloat16)
    idx, loss = _tc_stage(feat2d, cb_hi, y2)
    cb128 = jnp.concatenate(
        [codebook, jnp.zeros((K, 128 - D), jnp.float32)], axis=1)
    out128 = _sc_gather(cb128, idx.reshape(N))
    return out128[:, :D].reshape(B, C, H, W), loss[0, 0]

# --- scband reference (transcript-rebuilt; emitter-appended) ---
"""Pipeline reference for scband-vqvae-84112639525588 (READ-ONLY COPY).

The authoritative reference and input builder live on the scoring server;
editing this copy changes nothing except your own understanding.
"""

import jax, jax.numpy as jnp
import numpy as np

BETA = 0.2
NUM_EMBEDDINGS = 1024
EMBEDDING_DIM = 64


def setup_inputs(seed: int = 0) -> dict:
    key = jax.random.key(seed)
    k1, k2 = jax.random.split(key)
    # latent feature map [B, C, H, W]; note: module's reshape logic requires C == H == W
    features = jax.random.normal(k1, (8, 64, 64, 64), dtype=jnp.float32)
    # learned codebook (nn.Embedding.weight), scaled to production size
    codebook = jax.random.normal(k2, (NUM_EMBEDDINGS, EMBEDDING_DIM), dtype=jnp.float32)
    return {"features": features, "codebook": codebook}


def _cdist(x, y):
    # x: [b, n, c], y: [k, c] -> euclidean distances [b, n, k] (matches torch.cdist p=2)
    x2 = jnp.sum(x * x, axis=-1, keepdims=True)          # [b, n, 1]
    y2 = jnp.sum(y * y, axis=-1)                          # [k]
    d2 = x2 + y2[None, None, :] - 2.0 * jnp.einsum('bnc,kc->bnk', x, y)
    return jnp.sqrt(jnp.maximum(d2, 0.0))


def reference(features, codebook):
    # faithful translation of VQVAE.quantize (including the b,h,w,c unpack of NCHW features,
    # which only type-checks because C == H == W)
    b, h, w, c = features.shape
    quant_in = jnp.transpose(features, (0, 2, 3, 1))      # [b, H, W, C]
    quant_in = quant_in.reshape(b, -1, c)                 # [b, H*W, C]
    dist = _cdist(quant_in, codebook)                     # [b, H*W, K]
    min_index = jnp.argmin(dist, axis=-1)                 # [b, H*W]
    quant_out = jnp.take(codebook, min_index.reshape(-1), axis=0)  # [b*H*W, C]
    # quantize_loss (names follow the original module)
    qi_flat = quant_in.reshape(-1, quant_in.shape[-1])
    commitment_loss = jnp.mean((jax.lax.stop_gradient(quant_out) - qi_flat) ** 2)
    codebook_loss = jnp.mean((quant_out - jax.lax.stop_gradient(qi_flat)) ** 2)
    quantize_loss = commitment_loss + BETA * codebook_loss
    # straight-through estimator
    quant_in2 = quant_in.reshape(b * h * w, c)
    quant_out = quant_in2 + jax.lax.stop_gradient(quant_out - quant_in2)
    quant_out = quant_out.reshape(b, c, h, w)
    return (quant_out, quantize_loss)

if __name__ == "__main__":
    import jax
    _d = setup_inputs()
    print(jax.jit(kernel)(*tuple(_d.values())))

</pallas_src>

<mosaic_0001>
#map = affine_map<(d0, d1) -> (0, 0)>
#map1 = affine_map<(d0, d1) -> (0)>
module attributes {stable_mosaic.version = 14 : i64} {
  func.func @gather_kernel(%arg0: i32, %arg1: i32, %arg2: memref<1024x128xf32, #tpu.memory_space<hbm>>, %arg3: memref<32768xi32, #tpu.memory_space<hbm>>, %arg4: memref<32768x128xf32, #tpu.memory_space<hbm>>, %arg5: memref<1024xi32, #tpu.memory_space<vmem>>, %arg6: memref<256x128xf32, #tpu.memory_space<vmem>>, %arg7: memref<256x128xf32, #tpu.memory_space<vmem>>, %arg8: memref<!tpu.dma_semaphore, #tpu.memory_space<semaphore_mem>>, %arg9: memref<!tpu.dma_semaphore, #tpu.memory_space<semaphore_mem>>, %arg10: memref<!tpu.dma_semaphore, #tpu.memory_space<semaphore_mem>>, %arg11: memref<!tpu.dma_semaphore, #tpu.memory_space<semaphore_mem>>) attributes {dimension_semantics = [#tpu.dimension_semantics<core_parallel>, #tpu.dimension_semantics<subcore_parallel>], iteration_bounds = array<i64: 2, 16>, scalar_prefetch = 0 : i64, scratch_operands = 7 : i64, tpu.core_type = #tpu.core_type<sc_vector_subcore>, window_params = [{transform_indices = #map}, {transform_indices = #map1}, {transform_indices = #map}]} {
    %mul3A = arith.constant 2 : i32
    %mul3A_0 = arith.muli %arg1, %mul3A : i32
    %add3A = arith.addi %mul3A_0, %arg0 : i32
    %mul3A_1 = arith.constant 1024 : i32
    %mul3A_2 = arith.muli %add3A, %mul3A_1 : i32
    "tpu.region"() ({
      %run_scoped3A = tpu.sem_alloc : memref<!tpu.dma_semaphore, #tpu.memory_space<semaphore_mem>>
      %dma_start3A_81 = tpu.memref_slice %arg3[%mul3A_2] : memref<32768xi32, #tpu.memory_space<hbm>> -> memref<1024xi32, #tpu.memory_space<hbm>>
      %dma_start3A_82 = tpu.memref_slice %arg3[%mul3A_2] : memref<32768xi32, #tpu.memory_space<hbm>> -> memref<1024xi32, #tpu.memory_space<hbm>>
      tpu.enqueue_dma source(%dma_start3A_82 : memref<1024xi32, #tpu.memory_space<hbm>>) target(%arg5 : memref<1024xi32, #tpu.memory_space<vmem>>) target_semaphore(%run_scoped3A : memref<!tpu.dma_semaphore, #tpu.memory_space<semaphore_mem>>)
      %dma_wait3A_83 = tpu.memref_slice %arg3[%mul3A_2] : memref<32768xi32, #tpu.memory_space<hbm>> -> memref<1024xi32, #tpu.memory_space<hbm>>
      %dma_wait3A_84 = tpu.memref_slice %arg3[%mul3A_2] : memref<32768xi32, #tpu.memory_space<hbm>> -> memref<1024xi32, #tpu.memory_space<hbm>>
      tpu.wait_dma2 semaphore(%run_scoped3A : memref<!tpu.dma_semaphore, #tpu.memory_space<semaphore_mem>>) src(%dma_wait3A_84 : memref<1024xi32, #tpu.memory_space<hbm>>) dst(%arg5 : memref<1024xi32, #tpu.memory_space<vmem>>)
      tpu.yield
    }) : () -> ()
    %dma_start3A = arith.constant 0 : i32
    %dma_start3A_3 = tpu.memref_slice %arg5[%dma_start3A] : memref<1024xi32, #tpu.memory_space<vmem>> -> memref<256xi32, #tpu.memory_space<vmem>>
    %dma_start3A_4 = arith.constant 0 : i32
    %dma_start3A_5 = arith.constant 0 : i32
    %dma_start3A_6 = tpu.memref_slice %arg2[%dma_start3A_4, %dma_start3A_5] : memref<1024x128xf32, #tpu.memory_space<hbm>> -> memref<1024x128xf32, #tpu.memory_space<hbm>>
    tpu.enqueue_indirect_dma source(%dma_start3A_6 : memref<1024x128xf32, #tpu.memory_space<hbm>>) target(%arg6 : memref<256x128xf32, #tpu.memory_space<vmem>>) offsets(%dma_start3A_3 : memref<256xi32, #tpu.memory_space<vmem>>) semaphore(%arg8 : memref<!tpu.dma_semaphore, #tpu.memory_space<semaphore_mem>>)
    %dma_wait3A = arith.constant 0 : i32
    %dma_wait3A_7 = tpu.memref_slice %arg5[%dma_wait3A] : memref<1024xi32, #tpu.memory_space<vmem>> -> memref<256xi32, #tpu.memory_space<vmem>>
    %dma_wait3A_8 = arith.constant 0 : i32
    %dma_wait3A_9 = arith.constant 0 : i32
    %dma_wait3A_10 = tpu.memref_slice %arg2[%dma_wait3A_8, %dma_wait3A_9] : memref<1024x128xf32, #tpu.memory_space<hbm>> -> memref<1024x128xf32, #tpu.memory_space<hbm>>
    tpu.wait_indirect_dma semaphore(%arg8 : memref<!tpu.dma_semaphore, #tpu.memory_space<semaphore_mem>>) src(%dma_wait3A_10 : memref<1024x128xf32, #tpu.memory_space<hbm>>) dst(%arg6 : memref<256x128xf32, #tpu.memory_space<vmem>>)
    %dma_start3A_11 = arith.constant 256 : i32
    %dma_start3A_12 = tpu.memref_slice %arg5[%dma_start3A_11] : memref<1024xi32, #tpu.memory_space<vmem>> -> memref<256xi32, #tpu.memory_space<vmem>>
    %dma_start3A_13 = arith.constant 0 : i32
    %dma_start3A_14 = arith.constant 0 : i32
    %dma_start3A_15 = tpu.memref_slice %arg2[%dma_start3A_13, %dma_start3A_14] : memref<1024x128xf32, #tpu.memory_space<hbm>> -> memref<1024x128xf32, #tpu.memory_space<hbm>>
    tpu.enqueue_indirect_dma source(%dma_start3A_15 : memref<1024x128xf32, #tpu.memory_space<hbm>>) target(%arg7 : memref<256x128xf32, #tpu.memory_space<vmem>>) offsets(%dma_start3A_12 : memref<256xi32, #tpu.memory_space<vmem>>) semaphore(%arg9 : memref<!tpu.dma_semaphore, #tpu.memory_space<semaphore_mem>>)
    %add3A_16 = arith.constant 0 : i32
    %add3A_17 = arith.addi %mul3A_2, %add3A_16 : i32
    %dma_start3A_18 = arith.constant 0 : i32
    %dma_start3A_19 = tpu.memref_slice %arg4[%add3A_17, %dma_start3A_18] : memref<32768x128xf32, #tpu.memory_space<hbm>> -> memref<256x128xf32, #tpu.memory_space<hbm>>
    %dma_start3A_20 = arith.constant 0 : i32
    %dma_start3A_21 = tpu.memref_slice %arg4[%add3A_17, %dma_start3A_20] : memref<32768x128xf32, #tpu.memory_space<hbm>> -> memref<256x128xf32, #tpu.memory_space<hbm>>
    tpu.enqueue_dma source(%arg6 : memref<256x128xf32, #tpu.memory_space<vmem>>) target(%dma_start3A_21 : memref<256x128xf32, #tpu.memory_space<hbm>>) target_semaphore(%arg10 : memref<!tpu.dma_semaphore, #tpu.memory_space<semaphore_mem>>)
    %dma_wait3A_22 = arith.constant 256 : i32
    %dma_wait3A_23 = tpu.memref_slice %arg5[%dma_wait3A_22] : memref<1024xi32, #tpu.memory_space<vmem>> -> memref<256xi32, #tpu.memory_space<vmem>>
    %dma_wait3A_24 = arith.constant 0 : i32
    %dma_wait3A_25 = arith.constant 0 : i32
    %dma_wait3A_26 = tpu.memref_slice %arg2[%dma_wait3A_24, %dma_wait3A_25] : memref<1024x128xf32, #tpu.memory_space<hbm>> -> memref<1024x128xf32, #tpu.memory_space<hbm>>
    tpu.wait_indirect_dma semaphore(%arg9 : memref<!tpu.dma_semaphore, #tpu.memory_space<semaphore_mem>>) src(%dma_wait3A_26 : memref<1024x128xf32, #tpu.memory_space<hbm>>) dst(%arg7 : memref<256x128xf32, #tpu.memory_space<vmem>>)
    %dma_wait3A_27 = arith.constant 0 : i32
    %dma_wait3A_28 = tpu.memref_slice %arg4[%add3A_17, %dma_wait3A_27] : memref<32768x128xf32, #tpu.memory_space<hbm>> -> memref<256x128xf32, #tpu.memory_space<hbm>>
    %dma_wait3A_29 = arith.constant 0 : i32
    %dma_wait3A_30 = tpu.memref_slice %arg4[%add3A_17, %dma_wait3A_29] : memref<32768x128xf32, #tpu.memory_space<hbm>> -> memref<256x128xf32, #tpu.memory_space<hbm>>
    tpu.wait_dma2 semaphore(%arg10 : memref<!tpu.dma_semaphore, #tpu.memory_space<semaphore_mem>>) src(%arg6 : memref<256x128xf32, #tpu.memory_space<vmem>>) dst(%dma_wait3A_30 : memref<256x128xf32, #tpu.memory_space<hbm>>)
    %dma_start3A_31 = arith.constant 512 : i32
    %dma_start3A_32 = tpu.memref_slice %arg5[%dma_start3A_31] : memref<1024xi32, #tpu.memory_space<vmem>> -> memref<256xi32, #tpu.memory_space<vmem>>
    %dma_start3A_33 = arith.constant 0 : i32
    %dma_start3A_34 = arith.constant 0 : i32
    %dma_start3A_35 = tpu.memref_slice %arg2[%dma_start3A_33, %dma_start3A_34] : memref<1024x128xf32, #tpu.memory_space<hbm>> -> memref<1024x128xf32, #tpu.memory_space<hbm>>
    tpu.enqueue_indirect_dma source(%dma_start3A_35 : memref<1024x128xf32, #tpu.memory_space<hbm>>) target(%arg6 : memref<256x128xf32, #tpu.memory_space<vmem>>) offsets(%dma_start3A_32 : memref<256xi32, #tpu.memory_space<vmem>>) semaphore(%arg8 : memref<!tpu.dma_semaphore, #tpu.memory_space<semaphore_mem>>)
    %add3A_36 = arith.constant 256 : i32
    %add3A_37 = arith.addi %mul3A_2, %add3A_36 : i32
    %dma_start3A_38 = arith.constant 0 : i32
    %dma_start3A_39 = tpu.memref_slice %arg4[%add3A_37, %dma_start3A_38] : memref<32768x128xf32, #tpu.memory_space<hbm>> -> memref<256x128xf32, #tpu.memory_space<hbm>>
    %dma_start3A_40 = arith.constant 0 : i32
    %dma_start3A_41 = tpu.memref_slice %arg4[%add3A_37, %dma_start3A_40] : memref<32768x128xf32, #tpu.memory_space<hbm>> -> memref<256x128xf32, #tpu.memory_space<hbm>>
    tpu.enqueue_dma source(%arg7 : memref<256x128xf32, #tpu.memory_space<vmem>>) target(%dma_start3A_41 : memref<256x128xf32, #tpu.memory_space<hbm>>) target_semaphore(%arg11 : memref<!tpu.dma_semaphore, #tpu.memory_space<semaphore_mem>>)
    %dma_wait3A_42 = arith.constant 512 : i32
    %dma_wait3A_43 = tpu.memref_slice %arg5[%dma_wait3A_42] : memref<1024xi32, #tpu.memory_space<vmem>> -> memref<256xi32, #tpu.memory_space<vmem>>
    %dma_wait3A_44 = arith.constant 0 : i32
    %dma_wait3A_45 = arith.constant 0 : i32
    %dma_wait3A_46 = tpu.memref_slice %arg2[%dma_wait3A_44, %dma_wait3A_45] : memref<1024x128xf32, #tpu.memory_space<hbm>> -> memref<1024x128xf32, #tpu.memory_space<hbm>>
    tpu.wait_indirect_dma semaphore(%arg8 : memref<!tpu.dma_semaphore, #tpu.memory_space<semaphore_mem>>) src(%dma_wait3A_46 : memref<1024x128xf32, #tpu.memory_space<hbm>>) dst(%arg6 : memref<256x128xf32, #tpu.memory_space<vmem>>)
    %dma_wait3A_47 = arith.constant 0 : i32
    %dma_wait3A_48 = tpu.memref_slice %arg4[%add3A_37, %dma_wait3A_47] : memref<32768x128xf32, #tpu.memory_space<hbm>> -> memref<256x128xf32, #tpu.memory_space<hbm>>
    %dma_wait3A_49 = arith.constant 0 : i32
    %dma_wait3A_50 = tpu.memref_slice %arg4[%add3A_37, %dma_wait3A_49] : memref<32768x128xf32, #tpu.memory_space<hbm>> -> memref<256x128xf32, #tpu.memory_space<hbm>>
    tpu.wait_dma2 semaphore(%arg11 : memref<!tpu.dma_semaphore, #tpu.memory_space<semaphore_mem>>) src(%arg7 : memref<256x128xf32, #tpu.memory_space<vmem>>) dst(%dma_wait3A_50 : memref<256x128xf32, #tpu.memory_space<hbm>>)
    %dma_start3A_51 = arith.constant 768 : i32
    %dma_start3A_52 = tpu.memref_slice %arg5[%dma_start3A_51] : memref<1024xi32, #tpu.memory_space<vmem>> -> memref<256xi32, #tpu.memory_space<vmem>>
    %dma_start3A_53 = arith.constant 0 : i32
    %dma_start3A_54 = arith.constant 0 : i32
    %dma_start3A_55 = tpu.memref_slice %arg2[%dma_start3A_53, %dma_start3A_54] : memref<1024x128xf32, #tpu.memory_space<hbm>> -> memref<1024x128xf32, #tpu.memory_space<hbm>>
    tpu.enqueue_indirect_dma source(%dma_start3A_55 : memref<1024x128xf32, #tpu.memory_space<hbm>>) target(%arg7 : memref<256x128xf32, #tpu.memory_space<vmem>>) offsets(%dma_start3A_52 : memref<256xi32, #tpu.memory_space<vmem>>) semaphore(%arg9 : memref<!tpu.dma_semaphore, #tpu.memory_space<semaphore_mem>>)
    %add3A_56 = arith.constant 512 : i32
    %add3A_57 = arith.addi %mul3A_2, %add3A_56 : i32
    %dma_start3A_58 = arith.constant 0 : i32
    %dma_start3A_59 = tpu.memref_slice %arg4[%add3A_57, %dma_start3A_58] : memref<32768x128xf32, #tpu.memory_space<hbm>> -> memref<256x128xf32, #tpu.memory_space<hbm>>
    %dma_start3A_60 = arith.constant 0 : i32
    %dma_start3A_61 = tpu.memref_slice %arg4[%add3A_57, %dma_start3A_60] : memref<32768x128xf32, #tpu.memory_space<hbm>> -> memref<256x128xf32, #tpu.memory_space<hbm>>
    tpu.enqueue_dma source(%arg6 : memref<256x128xf32, #tpu.memory_space<vmem>>) target(%dma_start3A_61 : memref<256x128xf32, #tpu.memory_space<hbm>>) target_semaphore(%arg10 : memref<!tpu.dma_semaphore, #tpu.memory_space<semaphore_mem>>)
    %dma_wait3A_62 = arith.constant 768 : i32
    %dma_wait3A_63 = tpu.memref_slice %arg5[%dma_wait3A_62] : memref<1024xi32, #tpu.memory_space<vmem>> -> memref<256xi32, #tpu.memory_space<vmem>>
    %dma_wait3A_64 = arith.constant 0 : i32
    %dma_wait3A_65 = arith.constant 0 : i32
    %dma_wait3A_66 = tpu.memref_slice %arg2[%dma_wait3A_64, %dma_wait3A_65] : memref<1024x128xf32, #tpu.memory_space<hbm>> -> memref<1024x128xf32, #tpu.memory_space<hbm>>
    tpu.wait_indirect_dma semaphore(%arg9 : memref<!tpu.dma_semaphore, #tpu.memory_space<semaphore_mem>>) src(%dma_wait3A_66 : memref<1024x128xf32, #tpu.memory_space<hbm>>) dst(%arg7 : memref<256x128xf32, #tpu.memory_space<vmem>>)
    %add3A_67 = arith.constant 768 : i32
    %add3A_68 = arith.addi %mul3A_2, %add3A_67 : i32
    %dma_start3A_69 = arith.constant 0 : i32
    %dma_start3A_70 = tpu.memref_slice %arg4[%add3A_68, %dma_start3A_69] : memref<32768x128xf32, #tpu.memory_space<hbm>> -> memref<256x128xf32, #tpu.memory_space<hbm>>
    %dma_start3A_71 = arith.constant 0 : i32
    %dma_start3A_72 = tpu.memref_slice %arg4[%add3A_68, %dma_start3A_71] : memref<32768x128xf32, #tpu.memory_space<hbm>> -> memref<256x128xf32, #tpu.memory_space<hbm>>
    tpu.enqueue_dma source(%arg7 : memref<256x128xf32, #tpu.memory_space<vmem>>) target(%dma_start3A_72 : memref<256x128xf32, #tpu.memory_space<hbm>>) target_semaphore(%arg11 : memref<!tpu.dma_semaphore, #tpu.memory_space<semaphore_mem>>)
    %dma_wait3A_73 = arith.constant 0 : i32
    %dma_wait3A_74 = tpu.memref_slice %arg4[%add3A_57, %dma_wait3A_73] : memref<32768x128xf32, #tpu.memory_space<hbm>> -> memref<256x128xf32, #tpu.memory_space<hbm>>
    %dma_wait3A_75 = arith.constant 0 : i32
    %dma_wait3A_76 = tpu.memref_slice %arg4[%add3A_57, %dma_wait3A_75] : memref<32768x128xf32, #tpu.memory_space<hbm>> -> memref<256x128xf32, #tpu.memory_space<hbm>>
    tpu.wait_dma2 semaphore(%arg10 : memref<!tpu.dma_semaphore, #tpu.memory_space<semaphore_mem>>) src(%arg6 : memref<256x128xf32, #tpu.memory_space<vmem>>) dst(%dma_wait3A_76 : memref<256x128xf32, #tpu.memory_space<hbm>>)
    %dma_wait3A_77 = arith.constant 0 : i32
    %dma_wait3A_78 = tpu.memref_slice %arg4[%add3A_68, %dma_wait3A_77] : memref<32768x128xf32, #tpu.memory_space<hbm>> -> memref<256x128xf32, #tpu.memory_space<hbm>>
    %dma_wait3A_79 = arith.constant 0 : i32
    %dma_wait3A_80 = tpu.memref_slice %arg4[%add3A_68, %dma_wait3A_79] : memref<32768x128xf32, #tpu.memory_space<hbm>> -> memref<256x128xf32, #tpu.memory_space<hbm>>
    tpu.wait_dma2 semaphore(%arg11 : memref<!tpu.dma_semaphore, #tpu.memory_space<semaphore_mem>>) src(%arg7 : memref<256x128xf32, #tpu.memory_space<vmem>>) dst(%dma_wait3A_80 : memref<256x128xf32, #tpu.memory_space<hbm>>)
    return
  }
}

module attributes {stable_mosaic.version = 14 : i64} {
  func.func @_vq_block(%arg0: i32, %arg1: i32, %arg2: memref<64x512xf32, #tpu.memory_space<vmem>>, %arg3: memref<1024x64xbf16, #tpu.memory_space<vmem>>, %arg4: memref<1024x1xf32, #tpu.memory_space<vmem>>, %arg5: memref<1x1x512xi32, #tpu.memory_space<vmem>>, %arg6: memref<1x1xf32, #tpu.memory_space<vmem>>, %arg7: memref<1xf32, #tpu.memory_space<smem>>) attributes {dimension_semantics = [#tpu.dimension_semantics<arbitrary>, #tpu.dimension_semantics<arbitrary>], iteration_bounds = array<i64: 8, 8>, scalar_prefetch = 0 : i64, scratch_operands = 1 : i64, tpu.core_type = #tpu.core_type<tc>, window_params = [{transform_indices = @transform_0, window_bounds = array<i64: 64, 512>}, {pipeline_mode = #tpu.pipeline_mode<synchronous>, transform_indices = @transform_1, window_bounds = array<i64: 1024, 64>}, {pipeline_mode = #tpu.pipeline_mode<synchronous>, transform_indices = @transform_2, window_bounds = array<i64: 1024, 1>}, {transform_indices = @transform_3, window_bounds = array<i64: 1, 1, 512>}, {pipeline_mode = #tpu.pipeline_mode<synchronous>, transform_indices = @transform_4, window_bounds = array<i64: 1, 1>}]} {
    %get3A = arith.constant 0 : index
    %get3A_0 = arith.constant 0 : index
    %get3A_1 = vector.load %arg2[%get3A, %get3A_0] : memref<64x512xf32, #tpu.memory_space<vmem>>, vector<64x512xf32>
    %get3A_2 = arith.constant 0 : index
    %get3A_3 = arith.constant 0 : index
    %get3A_4 = vector.load %arg3[%get3A_2, %get3A_3] : memref<1024x64xbf16, #tpu.memory_space<vmem>>, vector<1024x64xbf16>
    %get3A_5 = arith.constant 0 : index
    %get3A_6 = arith.constant 0 : index
    %get3A_7 = vector.load %arg4[%get3A_5, %get3A_6] : memref<1024x1xf32, #tpu.memory_space<vmem>>, vector<1024x1xf32>
    %mul3A = arith.constant -2.000000e+00 : f32
    %mul3A_8 = vector.broadcast %mul3A : f32 to vector<64x512xf32>
    %mul3A_9 = arith.mulf %mul3A_8, %get3A_1 : vector<64x512xf32>
    %convert_element_type3A = arith.truncf %mul3A_9 : vector<64x512xf32> to vector<64x512xbf16>
    %dot_general3A = arith.constant dense<0.000000e+00> : vector<1024x512xf32>
    %dot_general3A_10 = tpu.matmul %get3A_4, %convert_element_type3A, %dot_general3A {dimension_numbers = #tpu.dot_dimension_numbers<[1], [0], [0], [1], [0, 0, 1, 1], [], []>, transpose_lhs_hint = false} : vector<1024x64xbf16>, vector<64x512xbf16>, vector<1024x512xf32> -> vector<1024x512xf32>
    %add3A = vector.broadcast %get3A_7 : vector<1024x1xf32> to vector<1024x512xf32>
    %add3A_11 = arith.addf %add3A, %dot_general3A_10 : vector<1024x512xf32>
    %reduce_min3A = arith.constant dense<0x7F800000> : vector<512xf32>
    %reduce_min3A_12 = vector.multi_reduction <minimumf>, %add3A_11, %reduce_min3A [0] : vector<1024x512xf32> to vector<512xf32>
    %iota3A = tpu.iota {dimensions = array<i32: 0>} : vector<1024x512xi32>
    %broadcast_in_dim3A = vector.shape_cast %reduce_min3A_12 : vector<512xf32> to vector<1x512xf32>
    %eq3A = vector.broadcast %broadcast_in_dim3A : vector<1x512xf32> to vector<1024x512xf32>
    %eq3A_13 = arith.cmpf oeq, %add3A_11, %eq3A : vector<1024x512xf32>
    %jit3A = arith.constant 1024 : i32
    %broadcast_in_dim3A_14 = vector.broadcast %jit3A : i32 to vector<1024x512xi32>
    %select_n3A = arith.select %eq3A_13, %iota3A, %broadcast_in_dim3A_14 : vector<1024x512xi1>, vector<1024x512xi32>
    %reduce_min3A_15 = arith.constant dense<2147483647> : vector<512xi32>
    %reduce_min3A_16 = vector.multi_reduction <minsi>, %select_n3A, %reduce_min3A_15 [0] : vector<1024x512xi32> to vector<512xi32>
    %swap3A = arith.constant 0 : index
    %swap3A_17 = arith.constant 0 : index
    %swap3A_18 = arith.constant 0 : index
    %swap3A_19 = vector.load %arg5[%swap3A, %swap3A_17, %swap3A_18] : memref<1x1x512xi32, #tpu.memory_space<vmem>>, vector<1x1x512xi32>
    %swap3A_20 = vector.shape_cast %swap3A_19 : vector<1x1x512xi32> to vector<512xi32>
    %swap3A_21 = vector.shape_cast %reduce_min3A_16 : vector<512xi32> to vector<1x1x512xi32>
    tpu.vector_store %arg5[%swap3A, %swap3A_17, %swap3A_18], %swap3A_21 {strides = array<i32>} : memref<1x1x512xi32, #tpu.memory_space<vmem>>, vector<1x1x512xi32>,
    %reduce_sum3A = vector.shape_cast %reduce_min3A_12 : vector<512xf32> to vector<1x512xf32>
    %reduce_sum3A_22 = arith.constant dense<0.000000e+00> : vector<1xf32>
    %reduce_sum3A_23 = vector.multi_reduction <add>, %reduce_sum3A, %reduce_sum3A_22 [1] : vector<1x512xf32> to vector<1xf32>
    %reduce_sum3A_24 = vector.shape_cast %reduce_sum3A_23 : vector<1xf32> to vector<1x1xf32>
    %reduce_sum3A_25 = vector.extract %reduce_sum3A_24[0, 0] : f32 from vector<1x1xf32>
    %mul3A_26 = arith.mulf %get3A_1, %get3A_1 : vector<64x512xf32>
    %reduce_sum3A_27 = vector.shape_cast %mul3A_26 : vector<64x512xf32> to vector<1x64x512xf32>
    %reduce_sum3A_28 = arith.constant dense<0.000000e+00> : vector<1xf32>
    %reduce_sum3A_29 = vector.multi_reduction <add>, %reduce_sum3A_27, %reduce_sum3A_28 [1, 2] : vector<1x64x512xf32> to vector<1xf32>
    %reduce_sum3A_30 = vector.shape_cast %reduce_sum3A_29 : vector<1xf32> to vector<1x1x1xf32>
    %reduce_sum3A_31 = vector.extract %reduce_sum3A_30[0, 0, 0] : f32 from vector<1x1x1xf32>
    %add3A_32 = arith.addf %reduce_sum3A_25, %reduce_sum3A_31 : f32
    %eq3A_33 = arith.constant 0 : i32
    %eq3A_34 = arith.cmpi eq, %arg0, %eq3A_33 : i32
    %eq3A_35 = arith.constant 0 : i32
    %eq3A_36 = arith.cmpi eq, %arg1, %eq3A_35 : i32
    %and3A = arith.andi %eq3A_34, %eq3A_36 : i1
    %convert_element_type3A_37 = arith.extui %and3A : i1 to i32
    %cond3A = arith.constant 0 : i32
    %cond3A_38 = arith.cmpi ne, %convert_element_type3A_37, %cond3A : i32
    scf.if %cond3A_38 {
      %swap3A_52 = arith.constant 0.000000e+00 : f32
      %swap3A_53 = arith.constant 0 : index
      %swap3A_54 = memref.load %arg7[%swap3A_53] : memref<1xf32, #tpu.memory_space<smem>>
      memref.store %swap3A_52, %arg7[%swap3A_53] : memref<1xf32, #tpu.memory_space<smem>>
    } else {
    }
    %get3A_39 = arith.constant 0 : index
    %get3A_40 = memref.load %arg7[%get3A_39] : memref<1xf32, #tpu.memory_space<smem>>
    %add3A_41 = arith.addf %get3A_40, %add3A_32 : f32
    %swap3A_42 = arith.constant 0 : index
    %swap3A_43 = memref.load %arg7[%swap3A_42] : memref<1xf32, #tpu.memory_space<smem>>
    memref.store %add3A_41, %arg7[%swap3A_42] : memref<1xf32, #tpu.memory_space<smem>>
    %eq3A_44 = arith.constant 7 : i32
    %eq3A_45 = arith.cmpi eq, %arg0, %eq3A_44 : i32
    %eq3A_46 = arith.constant 7 : i32
    %eq3A_47 = arith.cmpi eq, %arg1, %eq3A_46 : i32
    %and3A_48 = arith.andi %eq3A_45, %eq3A_47 : i1
    %convert_element_type3A_49 = arith.extui %and3A_48 : i1 to i32
    %cond3A_50 = arith.constant 0 : i32
    %cond3A_51 = arith.cmpi ne, %convert_element_type3A_49, %cond3A_50 : i32
    scf.if %cond3A_51 {
      %get3A_52 = arith.constant 0 : index
      %get3A_53 = memref.load %arg7[%get3A_52] : memref<1xf32, #tpu.memory_space<smem>>
      %mul3A_54 = arith.constant 5.72204613E-7 : f32
      %mul3A_55 = arith.mulf %get3A_53, %mul3A_54 : f32
      %broadcast_in_dim3A_56 = vector.broadcast %mul3A_55 : f32 to vector<1x1xf32>
      %swap3A_57 = arith.constant 0 : index
      %swap3A_58 = arith.constant 0 : index
      %swap3A_59 = vector.load %arg6[%swap3A_57, %swap3A_58] : memref<1x1xf32, #tpu.memory_space<vmem>>, vector<1x1xf32>
      tpu.vector_store %arg6[%swap3A_57, %swap3A_58], %broadcast_in_dim3A_56 {strides = array<i32>} : memref<1x1xf32, #tpu.memory_space<vmem>>, vector<1x1xf32>,
    } else {
    }
    return
  }
  func.func @transform_0(%arg0: i32, %arg1: i32) -> (i32, i32) {
    %c0_i32 = arith.constant 0 : i32
    return %arg0, %arg1 : i32, i32
  }
  func.func @transform_1(%arg0: i32, %arg1: i32) -> (i32, i32) {
    %c0_i32 = arith.constant 0 : i32
    %c0_i32_0 = arith.constant 0 : i32
    %c0_i32_1 = arith.constant 0 : i32
    return %c0_i32, %c0_i32_0 : i32, i32
  }
  func.func @transform_2(%arg0: i32, %arg1: i32) -> (i32, i32) {
    %c0_i32 = arith.constant 0 : i32
    %c0_i32_0 = arith.constant 0 : i32
    %c0_i32_1 = arith.constant 0 : i32
    return %c0_i32, %c0_i32_0 : i32, i32
  }
  func.func @transform_3(%arg0: i32, %arg1: i32) -> (i32, i32, i32) {
    %mul3A = arith.constant 8 : i32
    %mul3A_0 = arith.muli %arg0, %mul3A : i32
    %add3A = arith.addi %mul3A_0, %arg1 : i32
    %c0_i32 = arith.constant 0 : i32
    %c0_i32_1 = arith.constant 0 : i32
    %c0_i32_2 = arith.constant 0 : i32
    return %add3A, %c0_i32, %c0_i32_1 : i32, i32, i32
  }
  func.func @transform_4(%arg0: i32, %arg1: i32) -> (i32, i32) {
    %c0_i32 = arith.constant 0 : i32
    %c0_i32_0 = arith.constant 0 : i32
    %c0_i32_1 = arith.constant 0 : i32
    return %c0_i32, %c0_i32_0 : i32, i32
  }
}

</mosaic_0001>

<sc_bundles>
// kernel: kernel.4.cloned.1.call-start
scs
__scs_entry_jumppad:
0x0: {  	(pc) =	sbr.rel $0x88, $3  }
0x1: {  	(tag) =	ssettag $0x0;
	lr =	simm.s32 $0x1  }
0x2: {  	[smem:$0x3F9F] =	sst lr;
	_ =	strace $0xD0000000  }
0x3: {  	_ = 	snop  }
0x4: {  	_ = 	snop  }
0x5: {  	_ = 	snop  }
0x6: {  	_ = 	snop  }
0x7: {  	_ = 	snop  }
__scs_overlays_trampoline_lowered:
0x8: {  	[smem:$0x3FAE] =	sst s0  }
0x9: {  	[smem:$0x3FAF] =	sst s1  }
0xa: {  	[smem:$0x3FB0] =	sst s2  }
0xb: {  	[smem:$0x3FB1] =	sst s3  }
0xc: {  	[smem:$0x3FB2] =	sst s4  }
0xd: {  	[smem:$0x3FB3] =	sst s5  }
0xe: {  	[smem:$0x3FB4] =	sst s6  }
0xf: {  	[smem:$0x3FB5] =	sst s7  }
0x10: {  	[smem:$0x3FB6] =	sst s8  }
0x11: {  	[smem:$0x3FB7] =	sst s9;
	s0 =	simm.s32 @!p0 $0x0  }
0x12: {  	s1 =	sld [smem:$0x3F9D];
	s0 =	simm.s32 @p0 $0x1  }
0x13: {  	[smem:$0x3FB8] =	sst s0;
	s0 =	simm.s32 @!p1 $0x0  }
0x14: {  	s2 =	sld [smem:$0x3F9C];
	s0 =	simm.s32 @p1 $0x1  }
0x15: {  	[smem:$0x3FB9] =	sst s0;
	s0 =	simm.s32 @!p2 $0x0  }
0x16: {  	s3 =	sld [smem:$0x3FDB];
	s0 =	simm.s32 @p2 $0x1  }
0x17: {  	s4 =	simm.s32 $0x1BF5;
	[smem:$0x3FBB] =	sst s0  }
0x18: {  	s0 =	sld [smem:$0x3F9E];
	_ =	swait.ge [sflag:s4], $0x0  }
0x19: {  	s7 =	sld [smem:$0x3F9F]  }
0x1a: {  	s8 =	sadd.s32 $0xFFFFE003, lr  }
0x1b: {  	s9 =	sadd.s32 $0xFFFFFEF7, lr;
	s5 =	simm.s32 $0xFFFFFFFF;
	p2 =	slt.u32 s8, $0xFFFFF086  }
0x1c: {  	p1 =	slt.u32 s9, $0xF7A;
	s5 =	simm.s32 @!p2 $0x0  }
0x1d: {  	s5 =	simm.s32 @p1 $0x1;
	p0 =	seq.s32 s7, s2  }
0x1e: {  	s7 =	smul.u32 @!p0 $0xF7A, s2;
	p2 =	seq.s32 @!p0 s5, $0x0  }
0x1f: {  	s9 =	smul.u32 $0xF7A, s1;
	s8 =	simm.s32 @!p0 $0x1BF5;
	p2 =	por !p2, p0  }
0x20: {  	[sflag:s8] =	ssyncset.s32 @!p0 $0xFFFFF086;
	s6 =	sadd.s32 @!p0 s3, s7;
	s7 =	simm.s32 @!p0 $0x108  }
0x21: {  	s3 =	sadd.s32 s3, s9;
	s6 =	sadd.s32 @!p0 $0x88, s6;
	s7 =	simm.s32 @p2 $0x1082  }
0x22: {  	[simem:s7], [sflag:s8] =	dma.local @!p0 [hbm:s6], $0xF7A  }
0x23: {  	s9 =	sor.u32 $0xD0000000, s2;
	s6 =	simm.s32 $0x108;
	_ =	swait.ge @!p0 [sflag:s8], $0x0  }
0x24: {  	s3 =	sadd.s32 $0x88, s3;
	s6 =	simm.s32 @!p1 $0x1082;
	[sflag:s4] =	ssyncset.s32 $0xFFFFF086  }
0x25: {  	[simem:s6], [sflag:s4] =	dma.local [hbm:s3], $0xF7A  }
0x26: {  	[smem:$0x3F9F] =	sst s1;
	(tag) =	ssettag s2;
	_ =	strace s9  }
0x27: {  	s1 =	sld [smem:$0x3FAF]  }
0x28: {  	s2 =	sld [smem:$0x3FB0]  }
0x29: {  	s4 =	sld [smem:$0x3FB2]  }
0x2a: {  	p0 =	seq.s32 s5, $0x0;
	s5 =	sld [smem:$0x3FB3]  }
0x2b: {  	s6 =	sld [smem:$0x3FB4]  }
0x2c: {  	s7 =	sld [smem:$0x3FB5]  }
0x2d: {  	s3 =	simm.s32 $0x108;
	s8 =	sld [smem:$0x3FB6]  }
0x2e: {  	s3 =	simm.s32 @!p0 $0x1082;
	s9 =	sld [smem:$0x3FB7]  }
0x2f: {  	lr =	sadd.s32 s0, s3;
	s0 =	sld [smem:$0x3FAE]  }
0x30: {  	s3 =	sld [smem:$0x3FB1]  }
0x31: {  	[smem:$0x3FBA] =	sst s10  }
0x32: {  	s10 =	sld [smem:$0x3FB8];
	_ =	sdelay $0x3  }
0x33: {  	p0 =	seq.s32 s10, $0x1;
	s10 =	sld [smem:$0x3FBA];
	_ =	sdelay $0x3  }
0x34: {  	[smem:$0x3FBA] =	sst s10  }
0x35: {  	s10 =	sld [smem:$0x3FB9];
	_ =	sdelay $0x3  }
0x36: {  	p1 =	seq.s32 s10, $0x1;
	s10 =	sld [smem:$0x3FBA];
	_ =	sdelay $0x3  }
0x37: {  	[smem:$0x3FBA] =	sst s10  }
0x38: {  	s10 =	sld [smem:$0x3FBB]  }
0x39: {  	_ = 	snop;
	(pc) =	sbr.ind lr, $3  }
0x3a: {  	_ = 	snop  }
0x3b: {  	_ = 	snop  }
0x3c: {  	p2 =	seq.s32 s10, $0x1;
	s10 =	sld [smem:$0x3FBA]  }
0x3d: {  	_ =	shalt  }
0x3e: {  	_ =	shalt  }
0x3f: {  	_ =	shalt  }
0x40: {  	_ =	shalt  }
0x41: {  	_ =	shalt  }
0x42: {  	_ =	shalt  }
0x43: {  	_ =	shalt  }
0x44: {  	_ =	shalt  }
0x45: {  	_ =	shalt  }
0x46: {  	_ =	shalt  }
0x47: {  	_ =	shalt  }
0x48: {  	_ =	shalt  }
0x49: {  	_ =	shalt  }
0x4a: {  	_ =	shalt  }
0x4b: {  	_ =	shalt  }
0x4c: {  	_ =	shalt  }
0x4d: {  	_ =	shalt  }
0x4e: {  	_ =	shalt  }
0x4f: {  	_ =	shalt  }
0x50: {  	_ =	shalt  }
0x51: {  	_ =	shalt  }
0x52: {  	_ =	shalt  }
0x53: {  	_ =	shalt  }
0x54: {  	_ =	shalt  }
0x55: {  	_ =	shalt  }
0x56: {  	_ =	shalt  }
0x57: {  	_ =	shalt  }
0x58: {  	_ =	shalt  }
0x59: {  	_ =	shalt  }
0x5a: {  	_ =	shalt  }
0x5b: {  	_ =	shalt  }
0x5c: {  	_ =	shalt  }
0x5d: {  	_ =	shalt  }
0x5e: {  	_ =	shalt  }
0x5f: {  	_ =	shalt  }
0x60: {  	_ =	shalt  }
0x61: {  	_ =	shalt  }
0x62: {  	_ =	shalt  }
0x63: {  	_ =	shalt  }
0x64: {  	_ =	shalt  }
0x65: {  	_ =	shalt  }
0x66: {  	_ =	shalt  }
0x67: {  	_ =	shalt  }
0x68: {  	_ =	shalt  }
0x69: {  	_ =	shalt  }
0x6a: {  	_ =	shalt  }
0x6b: {  	_ =	shalt  }
0x6c: {  	_ =	shalt  }
0x6d: {  	_ =	shalt  }
0x6e: {  	_ =	shalt  }
0x6f: {  	_ =	shalt  }
0x70: {  	_ =	shalt  }
0x71: {  	_ =	shalt  }
0x72: {  	_ =	shalt  }
0x73: {  	_ =	shalt  }
0x74: {  	_ =	shalt  }
0x75: {  	_ =	shalt  }
0x76: {  	_ =	shalt  }
0x77: {  	_ =	shalt  }
0x78: {  	_ =	shalt  }
0x79: {  	_ =	shalt  }
0x7a: {  	_ =	shalt  }
0x7b: {  	_ =	shalt  }
0x7c: {  	_ =	shalt  }
0x7d: {  	_ =	shalt  }
0x7e: {  	_ =	shalt  }
0x7f: {  	_ =	shalt  }
0x80: {  	_ =	shalt  }
0x81: {  	_ =	shalt  }
0x82: {  	_ =	shalt  }
0x83: {  	_ =	shalt  }
0x84: {  	_ =	shalt  }
0x85: {  	_ =	shalt  }
0x86: {  	_ =	shalt  }
0x87: {  	_ =	shalt  }
.Lfunc_end0:
.L_simem_size_0:
called_computation_lowered:
.L_overlay_start_0:
0x88: {  	s2 =	sld [smem:$0x3FD9]  }
0x89: {  	s3 =	sld [smem:$0x3FFE];
	_ =	sdelay $0x1  }
0x8a: {  	s1 =	srdreg.scid  }
0x8b: {  	s0 =	sand.u32 $0x1, s1  }
0x8c: {  	s14 =	sshll.u32 s0, $0xA;
	s2 =	sadd.s32 s3, s2  }
0x8d: {  	s2 =	sadd.s32 s2, s14  }
0x8e: {  	[smem:$0x3FC6] =	sst s2  }
0x8f: {  	_ = 	snop  }
0x90: {  	s2 =	sld [smem:$0x3FD0];
	_ =	sdelay $0x2  }
0x91: {  	s15 =	simm.s32 $0xA;
	s4 =	simm.s32 $0x10  }
0x92: {  	[smem:s4], [sflag:s15] =	dma.local [hbm:s2], $0x1  }
0x93: {  	_ =	swait.eq [sflag:s15], $0x1  }
0x94: {  	[sflag:s15] =	ssyncset.done $0x0  }
0x95: {  	[sflag:s15] =	ssyncadd.s32 $0xFFFFFFFF  }
0x96: {  	s16 =	sld [smem:$0x10];
	(tm) =	ssettm $0x1  }
0x97: {  	s17 =	sld [smem:$0x3FFB];
	_ =	sdelay $0x3  }
0x98: {  	_ =	strace s17  }
0x99: {  	s3 =	sld [smem:$0x3FFC];
	_ =	sdelay $0x3  }
0x9a: {  	_ =	strace s3  }
0x9b: {  	s3 =	sld [smem:$0x3FFD];
	_ =	sdelay $0x3  }
0x9c: {  	_ =	strace s3  }
0x9d: {  	_ =	strace $0x8FFFFFFF  }
0x9e: {  	s18 =	sld [smem:$0x3FDB];
	_ =	sdelay $0x1  }
0x9f: {  	s19 =	simm.s32 $_scs_section_size  }
0xa0: {  	s5 =	simm.s32 $_size__tile_overlayer_lowered;
	s6 =	simm.s32 $_tile_overlayer_lowered  }
0xa1: {  	s22 =	simm.s32 $0x1BFF;
	s21 =	sshll.u32 s6, $0x1;
	s3 =	sadd.s32 s19, s18  }
0xa2: {  	s7 =	simm.s32 $0x0;
	s20 =	sshll.u32 s5, $0x1;
	s5 =	sadd.s32 s21, s3  }
0xa3: {  	[timem:s7], [sflag:s22] =	dma.local [hbm:s5], s20  }
0xa4: {  	_ =	swait.ge [sflag:s22], s20  }
0xa5: {  	s4 =	ssub.s32 $0x0, s20;
	[sflag:s22] =	ssyncset.done $0x0  }
0xa6: {  	[sflag:s22] =	ssyncadd.s32 s4;
	_ =	sdelay $0x1  }
0xa7: {  	s23 =	simm.s32 $0x1B8B  }
0xa8: {  	_ =	swait.ge [sflag:s23], $0x1  }
0xa9: {  	[sflag:s23] =	ssyncset.done $0x0  }
0xaa: {  	s25 =	simm.s32 $0x1B8E;
	s24 =	sld [smem:$0x3FFE];
	[sflag:s23] =	ssyncadd.s32 $0xFFFFFFFF  }
0xab: {  	s26 =	simm.s32 $execute0_lowered;
	[smem:$0x3FD2] =	sst s25  }
0xac: {  	s5 =	sshll.u32 s26, $0x1;
	_ =	strace $0x80000046;
	[dreg:$0x1] =	wrdreg $0xFFFFFFFF  }
0xad: {  	s28 =	simm.s32 $_size_execute0_lowered;
	s3 =	sadd.s32 s3, s5;
	[dreg:$0x0] =	wrdreg $0x0  }
0xae: {  	s5 =	sshll.u32 s28, $0x1;
	[dreg:$0x2] =	wrdreg s3  }
0xaf: {  	[dreg:$0x3] =	wrdreg s5  }
0xb0: {  	[dreg:$0x4] =	wrdreg $0xC0  }
0xb1: {  	_ =	task [dreg:s7], $0x5FFFF  }
0xb2: {  	[dreg:$0x1] =	wrdreg $0xFFFFFFFF  }
0xb3: {  	[dreg:$0x0] =	wrdreg $0x60  }
0xb4: {  	[dreg:$0x2] =	wrdreg s24  }
0xb5: {  	[dreg:$0x3] =	wrdreg s16  }
0xb6: {  	[dreg:$0x4] =	wrdreg $0x9  }
0xb7: {  	_ =	task.clear_ibuf [dreg:s7], $0x5FFFF;
	_ =	strace $0x90000046  }
0xb8: {  	s29 =	simm.s32 $0x9;
	_ =	strace $0x80000048  }
0xb9: {  	_ =	swait.ge [sflag:s29], $0x1  }
0xba: {  	[sflag:s29] =	ssyncadd.s32 $0xFFFFFFFF  }
0xbb: {  	_ =	strace $0x90000048  }
0xbc: {  	_ =	sfence  }
0xbd: {  	s30 =	sld [smem:$0x0];
	_ =	sdelay $0x2  }
0xbe: {  	s31 =	sshll.u32 s1, $0xD;
	s1 =	sshrl.u32 s1, $0x2  }
0xbf: {  	s3 =	sand.u32 $0x4000, s31;
	s1 =	sadd.s32 s1, s30  }
0xc0: {  	s0 =	sor.u32 s3, s0;
	s1 =	sshll.u32 s1, $0x11  }
0xc1: {  	s0 =	sor.u32 s1, s0  }
0xc2: {  	s0 =	sadd.s32 $0x8F2B, s0  }
0xc3: {  	[sflag:s0] =	ssyncadd.remote.s32 $0x1  }
0xc4: {  	_ =	sfence.sel $0xFFFF  }
0xc5: {  	[dreg:$0x0] =	wrdreg $0xFFFFFFFF;
	(pc) =	sbr.abs _section_cstart, $3  }
0xc6: {  	[dreg:$0x1] =	wrdreg $0xFFFFFFFF  }
0xc7: {  	_ =	task.clear_ibuf [dreg:s7], $0x2FFFF;
	_ =	strace $0x9FFFFFFF  }
0xc8: {  	(tm) =	ssettm $0x7FFFFFFF  }
0xc9: {  	_ =	shalt  }
tec
execute0_lowered:
.L_overlay_start_1:
0x0: {  	(tag) =	ssettag $0x1  }
0x1: {  	s1 =	srdreg.scid  }
0x2: {  	s0 =	stileid.u32;
	s18 =	sand.u32 $0x1, s1  }
0x3: {  	s31 =	sshll.u32 s0, $0xB;
	s2 =	sshll.u32 s18, $0xA  }
0x4: {  	s5 =	rddreg [dreg:$0x0];
	s9 =	sor.u32 s2, s31  }
0x5: {  	s10 =	rddreg [dreg:$0x1];
	s2 =	simm.s32 $0x0;
	s3 =	sshrl.u32 s9, $0x3  }
0x6: {  	s4 =	simm.s32 $0x5;
	[smem:$0x7FF] =	sst s2;
	s3 =	sadd.s32 s3, s5  }
0x7: {  	s1 =	rddreg [dreg:$0x2];
	_ =	strace $0x80000047;
	s3 =	sadd.s32 $0x4600, s3  }
0x8: {  	[tilespmem:s2], [sflag:$0x5] =	stream.linear.gather [hbm4b:s3+s2], $0x400, $0x38;
	[tilespmem:$0x10400] =	vst v63  }
0x9: {  	_ =	swait.ge [sflag:s4], $0x400  }
0xa: {  	s6 =	simm.s32 $0x100;
	s7 =	simm.s32 $0x400;
	[sflag:s4] =	ssyncset.done $0x0  }
0xb: {  	s8 =	simm.s32 $0x1;
	s5 =	sadd.s32 $0x600, s5;
	[sflag:s4] =	ssyncadd.s32 $0xFFFFFC00  }
0xc: {  	[tilespmem:s7], [sflag:$0x1] =	stream.indirect.gather [hbm4b:s5+s6], $0x80, s2, s6, $0xb8;
	[tilespmem:$0x10400] =	vst v63  }
0xd: {  	_ =	swait.ge [sflag:s8], $0x8000  }
0xe: {  	[sflag:s8] =	ssyncset.done $0x0  }
0xf: {  	s11 =	sshll.u32 s9, $0x4;
	s9 =	simm.s32 $0x8400;
	[sflag:s8] =	ssyncadd.s32 $0xFFFF8000  }
0x10: {  	[tilespmem:s9], [sflag:$0x2] =	stream.indirect.gather [hbm4b:s5+s6], $0x80, s6, s6, $0xb8;
	[tilespmem:$0x10400] =	vst v63  }
0x11: {  	s10 =	sadd.s32 s10, s11;
	s11 =	simm.s32 $0x2  }
0x12: {  	[hbm4b:s10+s2] =	stream.linear.scatter [tilespmem:s7], [sflag:$0x3], $0x8000, $0x38;
	[tilespmem:$0x10400] =	vst v63  }
0x13: {  	_ =	swait.ge [sflag:s11], $0x8000  }
0x14: {  	[sflag:s11] =	ssyncset.done $0x0  }
0x15: {  	s12 =	simm.s32 $0x3;
	[sflag:s11] =	ssyncadd.s32 $0xFFFF8000  }
0x16: {  	_ =	swait.ge [sflag:s12], $0x8000  }
0x17: {  	[sflag:s12] =	ssyncset.done $0x0  }
0x18: {  	s13 =	simm.s32 $0x200;
	[sflag:s12] =	ssyncadd.s32 $0xFFFF8000  }
0x19: {  	[tilespmem:s7], [sflag:$0x1] =	stream.indirect.gather [hbm4b:s5+s6], $0x80, s13, s6, $0xb8;
	[tilespmem:$0x10400] =	vst v63  }
0x1a: {  	s14 =	sadd.s32 $0x1000, s10  }
0x1b: {  	[hbm4b:s14+s2] =	stream.linear.scatter [tilespmem:s9], [sflag:$0x4], $0x8000, $0x38;
	[tilespmem:$0x10400] =	vst v63  }
0x1c: {  	_ =	swait.ge [sflag:s8], $0x8000  }
0x1d: {  	[sflag:s8] =	ssyncset.done $0x0  }
0x1e: {  	s15 =	simm.s32 $0x4;
	[sflag:s8] =	ssyncadd.s32 $0xFFFF8000  }
0x1f: {  	_ =	swait.ge [sflag:s15], $0x8000  }
0x20: {  	[sflag:s15] =	ssyncset.done $0x0  }
0x21: {  	s16 =	simm.s32 $0x300;
	s19 =	ssub.s32 $0x2, s18;
	[sflag:s15] =	ssyncadd.s32 $0xFFFF8000  }
0x22: {  	[tilespmem:s9], [sflag:$0x2] =	stream.indirect.gather [hbm4b:s5+s6], $0x80, s16, s6, $0xb8;
	[tilespmem:$0x10400] =	vst v63  }
0x23: {  	s20 =	sshrl.u32 s19, $0x1;
	s17 =	sadd.s32 $0x2000, s10  }
0x24: {  	[hbm4b:s17+s2] =	stream.linear.scatter [tilespmem:s7], [sflag:$0x3], $0x8000, $0x38;
	[tilespmem:$0x10400] =	vst v63  }
0x25: {  	s19 =	ssub.s32 s19, s20;
	_ =	swait.ge [sflag:s11], $0x8000  }
0x26: {  	s19 =	smax.u32 s19, $0x1;
	[sflag:s11] =	ssyncset.done $0x0  }
0x27: {  	s18 =	sadd.s32 $0x3000, s10;
	p0 =	sne.s32 s19, $0x1;
	[sflag:s11] =	ssyncadd.s32 $0xFFFF8000  }
0x28: {  	[hbm4b:s18+s2] =	stream.linear.scatter [tilespmem:s9], [sflag:$0x4], $0x8000, $0x38;
	[tilespmem:$0x10400] =	vst v63  }
.Ltmp0:
0x29: {  	_ =	swait.ge [sflag:s12], $0x8000;
	(pc) =	sbr.rel @!p0 .LBB2_2-.Ltmp0, $4  }
0x2a: {  	[sflag:s12] =	ssyncset.done $0x0  }
0x2b: {  	[sflag:s12] =	ssyncadd.s32 $0xFFFF8000  }
0x2c: {  	_ =	swait.ge [sflag:s15], $0x8000  }
0x2d: {  	s19 =	sadd.s32 $0xFFFFFFFF, s19;
	[sflag:s15] =	ssyncset.done $0x0  }
.LBB2_1:
0x2e: {  	p0 =	sne.s32 s19, $0x1;
	s19 =	sadd.s32 $0xFFFFFFFF, s19;
	[sflag:s15] =	ssyncadd.s32 $0xFFFF8000  }
0x2f: {  	[tilespmem:s2], [sflag:$0x5] =	stream.linear.gather [hbm4b:s3+s2], $0x400, $0x38;
	[tilespmem:$0x10400] =	vst v63  }
0x30: {  	_ =	swait.ge [sflag:s4], $0x400  }
0x31: {  	[sflag:s4] =	ssyncset.done $0x0  }
0x32: {  	[sflag:s4] =	ssyncadd.s32 $0xFFFFFC00  }
0x33: {  	[tilespmem:s7], [sflag:$0x1] =	stream.indirect.gather [hbm4b:s5+s6], $0x80, s2, s6, $0xb8;
	[tilespmem:$0x10400] =	vst v63  }
0x34: {  	_ =	swait.ge [sflag:s8], $0x8000  }
0x35: {  	[sflag:s8] =	ssyncset.done $0x0  }
0x36: {  	[sflag:s8] =	ssyncadd.s32 $0xFFFF8000  }
0x37: {  	[tilespmem:s9], [sflag:$0x2] =	stream.indirect.gather [hbm4b:s5+s6], $0x80, s6, s6, $0xb8;
	[tilespmem:$0x10400] =	vst v63  }
0x38: {  	_ = 	snop  }
0x39: {  	[hbm4b:s10+s2] =	stream.linear.scatter [tilespmem:s7], [sflag:$0x3], $0x8000, $0x38;
	[tilespmem:$0x10400] =	vst v63  }
0x3a: {  	_ =	swait.ge [sflag:s11], $0x8000  }
0x3b: {  	[sflag:s11] =	ssyncset.done $0x0  }
0x3c: {  	[sflag:s11] =	ssyncadd.s32 $0xFFFF8000  }
0x3d: {  	_ =	swait.ge [sflag:s12], $0x8000  }
0x3e: {  	[sflag:s12] =	ssyncset.done $0x0  }
0x3f: {  	[sflag:s12] =	ssyncadd.s32 $0xFFFF8000  }
0x40: {  	[tilespmem:s7], [sflag:$0x1] =	stream.indirect.gather [hbm4b:s5+s6], $0x80, s13, s6, $0xb8;
	[tilespmem:$0x10400] =	vst v63  }
0x41: {  	_ = 	snop  }
0x42: {  	[hbm4b:s14+s2] =	stream.linear.scatter [tilespmem:s9], [sflag:$0x4], $0x8000, $0x38;
	[tilespmem:$0x10400] =	vst v63  }
0x43: {  	_ =	swait.ge [sflag:s8], $0x8000  }
0x44: {  	[sflag:s8] =	ssyncset.done $0x0  }
0x45: {  	[sflag:s8] =	ssyncadd.s32 $0xFFFF8000  }
0x46: {  	_ =	swait.ge [sflag:s15], $0x8000  }
0x47: {  	[sflag:s15] =	ssyncset.done $0x0  }
0x48: {  	[sflag:s15] =	ssyncadd.s32 $0xFFFF8000  }
0x49: {  	[tilespmem:s9], [sflag:$0x2] =	stream.indirect.gather [hbm4b:s5+s6], $0x80, s16, s6, $0xb8;
	[tilespmem:$0x10400] =	vst v63  }
0x4a: {  	_ = 	snop  }
0x4b: {  	[hbm4b:s17+s2] =	stream.linear.scatter [tilespmem:s7], [sflag:$0x3], $0x8000, $0x38;
	[tilespmem:$0x10400] =	vst v63  }
0x4c: {  	_ =	swait.ge [sflag:s11], $0x8000  }
0x4d: {  	[sflag:s11] =	ssyncset.done $0x0  }
0x4e: {  	[sflag:s11] =	ssyncadd.s32 $0xFFFF8000  }
0x4f: {  	[hbm4b:s18+s2] =	stream.linear.scatter [tilespmem:s9], [sflag:$0x4], $0x8000, $0x38;
	[tilespmem:$0x10400] =	vst v63  }
.Ltmp1:
0x50: {  	_ =	swait.ge [sflag:s12], $0x8000;
	(pc) =	sbr.rel @p0 .LBB2_1-.Ltmp1, $4  }
0x51: {  	[sflag:s12] =	ssyncset.done $0x0  }
0x52: {  	[sflag:s12] =	ssyncadd.s32 $0xFFFF8000  }
0x53: {  	_ =	swait.ge [sflag:s15], $0x8000  }
0x54: {  	[sflag:s15] =	ssyncset.done $0x0  }
.LBB2_2:
0x55: {  	[sflag:s15] =	ssyncadd.s32 $0xFFFF8000  }
0x56: {  	_ =	sfence.sel $0x180000  }
0x57: {  	[bflag:$0x0] =	sbarrier.arrive $0xFFFF  }
0x58: {  	p0 =	sne.s32 s0, $0x0;
	_ =	strace $0x90000047  }
0x59: {  	s0 =	sadd.s32 @!p0 $0x100000, s1;
	[bflag:$0x2] =	sbarrier.arrive $0xFFFF  }
0x5a: {  	[sflag:s0] =	ssyncadd.tile.s32 @!p0 $0x1;
	_ =	shalt  }
.Lfunc_end2:
_tile_overlayer_lowered:
.L_overlay_start_2:
0x5b: {  	(tag) =	ssettag $0x2  }
0x5c: {  	s0 =	rddreg [dreg:$0x0];
	s2 =	stileid.u32  }
0x5d: {  	s1 =	rddreg [dreg:$0x1];
	p0 =	sne.s32 s2, $0x0  }
0x5e: {  	s3 =	rddreg [dreg:$0x2];
	[bflag:$0x3] =	sbarrier.arrive $0xFFFF;
	s2 =	simm.s32 @!p0 $0x1C05  }
0x5f: {  	[timem:s3], [sflag:s2] =	dma.local @!p0 [hbm:s0], s1  }
0x60: {  	s0 =	simm.s32 @!p0 $0x5  }
0x61: {  	_ =	swait.ge @!p0 [sflag:s0], s1  }
0x62: {  	s1 =	ssub.s32 @!p0 $0x0, s1;
	[sflag:s0] =	ssyncset.done @!p0 $0x0  }
0x63: {  	[sflag:s0] =	ssyncadd.s32 @!p0 s1  }
0x64: {  	[bflag:$0x3] =	sbarrier.arrive $0xFFFF  }
0x65: {  	_ =	shalt  }

</sc_bundles>
